<compile_context>
chip_gen: v7x
topology: tpu7x:2x2x1
jax: 0.10.2.dev20260603
libtpu: 0.0.44.dev20260713+nightly
codegen_flags: <defaults>
</compile_context>

<pallas_src>
import functools

import jax
import jax.numpy as jnp
from jax import lax
from jax.experimental import pallas as pl
from jax.experimental.pallas import tpu as pltpu
from jax.experimental.pallas import tpu_sc as plsc

N_GENE = 10000
N_TRAIN = 10000
E = 320000
D = 128
AUG = 144

SC_CORES = 2
SC_SUBCORES = 16
NW = SC_CORES * SC_SUBCORES
CHUNK = 128
NCHUNK = E // CHUNK

N_PAD = 10240
ROWS_PER_TILE = N_PAD // SC_SUBCORES

R_BLK = 1024


def _sc_segment_sum(gene_aug, src, dst, zeros_init):
    mesh = plsc.VectorSubcoreMesh(core_axis_name="c", subcore_axis_name="s")

    @functools.partial(
        pl.kernel,
        out_type=jax.ShapeDtypeStruct((SC_CORES, N_PAD, AUG), jnp.float32),
        mesh=mesh,
        scratch_types=[
            pltpu.VMEM((CHUNK,), jnp.int32),
            pltpu.VMEM((CHUNK,), jnp.int32),
            pltpu.VMEM((CHUNK, AUG), jnp.float32),
            pltpu.VMEM_SHARED((N_PAD, AUG), jnp.float32),
            pltpu.SemaphoreType.DMA,
        ],
        compiler_params=pltpu.CompilerParams(use_tc_tiling_on_sc=False),
    )
    def seg_kernel(gene_hbm, src_hbm, dst_hbm, zero_hbm, out_hbm,
                   src_v, dst_v, rows_v, accum, sem):
        cid = lax.axis_index("c")
        sid = lax.axis_index("s")
        wid = sid * SC_CORES + cid
        row0 = pl.multiple_of(sid * ROWS_PER_TILE, 8)

        pltpu.sync_copy(zero_hbm, accum.at[pl.ds(row0, ROWS_PER_TILE)])
        plsc.subcore_barrier()

        nch = jnp.where(wid < NCHUNK % NW, NCHUNK // NW + 1, NCHUNK // NW)

        def body(i, carry):
            base = pl.multiple_of((wid + i * NW) * CHUNK, 8)
            pltpu.sync_copy(src_hbm.at[pl.ds(base, CHUNK)], src_v)
            pltpu.sync_copy(dst_hbm.at[pl.ds(base, CHUNK)], dst_v)
            pltpu.async_copy(gene_hbm.at[src_v], rows_v, sem).wait()
            pltpu.sync_copy(rows_v, accum.at[dst_v], add=True)
            return carry

        lax.fori_loop(0, nch, body, 0)
        plsc.subcore_barrier()

        pltpu.sync_copy(
            accum.at[pl.ds(row0, ROWS_PER_TILE)],
            out_hbm.at[cid, pl.ds(row0, ROWS_PER_TILE)],
        )

    return seg_kernel(gene_aug, src, dst, zeros_init)


def _tc_dense(p0, p1, train_feat, W_self1, W_neigh1, b1, W_self2, W_neigh2,
              b2, Wc1, bc1, Wc2, bc2):
    nc = Wc2.shape[-1]

    def body(p0_ref, p1_ref, t_ref, ws1, wn1, b1r, ws2, wn2, b2r, wc1, bc1r,
             wc2, bc2r, o_ref):
        p = p0_ref[...] + p1_ref[...]
        deg = jnp.maximum(p[:, D:D + 1], 1.0)
        neigh = p[:, :D] / deg
        h1 = t_ref[...] @ ws1[...] + neigh @ wn1[...] + b1r[...]
        h1 = jnp.maximum(h1, 0.0)
        h2 = h1 @ ws2[...] + neigh @ wn2[...] + b2r[...]
        h2 = jnp.maximum(h2, 0.0)
        h3 = jnp.maximum(h2 @ wc1[...] + bc1r[...], 0.0)
        o_ref[...] = h3 @ wc2[...] + bc2r[...]

    grid = (N_PAD // R_BLK,)
    row_spec = lambda w: pl.BlockSpec((R_BLK, w), lambda i: (i, 0))
    full_spec = lambda a: pl.BlockSpec(a.shape, lambda i: (0,) * a.ndim)

    return pl.pallas_call(
        body,
        grid=grid,
        in_specs=[
            row_spec(AUG), row_spec(AUG), row_spec(D),
            full_spec(W_self1), full_spec(W_neigh1), full_spec(b1),
            full_spec(W_self2), full_spec(W_neigh2), full_spec(b2),
            full_spec(Wc1), full_spec(bc1), full_spec(Wc2), full_spec(bc2),
        ],
        out_specs=pl.BlockSpec((R_BLK, nc), lambda i: (i, 0)),
        out_shape=jax.ShapeDtypeStruct((N_PAD, nc), jnp.float32),
    )(p0, p1, train_feat, W_self1, W_neigh1, b1, W_self2, W_neigh2, b2,
      Wc1, bc1, Wc2, bc2)


def kernel(gene_feat, train_feat, edge_index, W_self1, W_neigh1, b1,
           W_self2, W_neigh2, b2, Wc1, bc1, Wc2, bc2):
    src = edge_index[0].astype(jnp.int32)
    dst = edge_index[1].astype(jnp.int32)

    gene_aug = jnp.concatenate(
        [gene_feat,
         jnp.ones((N_GENE, 1), jnp.float32),
         jnp.zeros((N_GENE, AUG - D - 1), jnp.float32)], axis=1)
    zeros_init = jnp.zeros((ROWS_PER_TILE, AUG), jnp.float32)

    partials = _sc_segment_sum(gene_aug, src, dst, zeros_init)

    train_pad = jnp.pad(train_feat, ((0, N_PAD - N_TRAIN), (0, 0)))
    out = _tc_dense(
        partials[0], partials[1], train_pad,
        W_self1, W_neigh1, b1.reshape(1, -1),
        W_self2, W_neigh2, b2.reshape(1, -1),
        Wc1, bc1.reshape(1, -1), Wc2, bc2.reshape(1, -1))
    return out[:N_TRAIN]

# --- scband reference (transcript-rebuilt; emitter-appended) ---
"""Pipeline reference for scband-word-sage-78847009620691 (READ-ONLY COPY).

The authoritative reference and input builder live on the scoring server;
editing this copy changes nothing except your own understanding.
"""

import jax, jax.numpy as jnp
import numpy as np

N_GENE = 10000
N_TRAIN = 10000
E = 320000
D = 128
HID = 128
OUT = 128
NC = 16


def setup_inputs(seed: int = 0) -> dict:
    key = jax.random.key(seed)
    ks = jax.random.split(key, 12)
    gene_feat = jax.random.normal(ks[0], (N_GENE, D), dtype=jnp.float32)
    train_feat = jax.random.normal(ks[1], (N_TRAIN, D), dtype=jnp.float32)
    src = jax.random.randint(ks[2], (E,), 0, N_GENE)
    dst = jax.random.randint(ks[3], (E,), 0, N_TRAIN)
    edge_index = jnp.stack([src, dst], axis=0)
    s1 = 1.0 / np.sqrt(D)
    W_self1 = jax.random.normal(ks[4], (D, HID), dtype=jnp.float32) * s1
    W_neigh1 = jax.random.normal(ks[5], (D, HID), dtype=jnp.float32) * s1
    b1 = jnp.zeros((HID,), jnp.float32)
    s2 = 1.0 / np.sqrt(HID)
    W_self2 = jax.random.normal(ks[6], (HID, OUT), dtype=jnp.float32) * s2
    W_neigh2 = jax.random.normal(ks[7], (HID, OUT), dtype=jnp.float32) * s2
    b2 = jnp.zeros((OUT,), jnp.float32)
    s3 = 1.0 / np.sqrt(OUT)
    Wc1 = jax.random.normal(ks[8], (OUT, OUT), dtype=jnp.float32) * s3
    bc1 = jnp.zeros((OUT,), jnp.float32)
    Wc2 = jax.random.normal(ks[9], (OUT, NC), dtype=jnp.float32) * s3
    bc2 = jnp.zeros((NC,), jnp.float32)
    return {
        "gene_feat": gene_feat,
        "train_feat": train_feat,
        "edge_index": edge_index,
        "W_self1": W_self1,
        "W_neigh1": W_neigh1,
        "b1": b1,
        "W_self2": W_self2,
        "W_neigh2": W_neigh2,
        "b2": b2,
        "Wc1": Wc1,
        "bc1": bc1,
        "Wc2": Wc2,
        "bc2": bc2,
    }


def reference(gene_feat, train_feat, edge_index, W_self1, W_neigh1, b1,
              W_self2, W_neigh2, b2, Wc1, bc1, Wc2, bc2):
    # DGL SAGEConv 'mean' on a bipartite ('gene_node','connects','train_node') graph:
    #   h_dst = fc_self(dst_feat) + fc_neigh(mean_{src in N(dst)} src_feat) + bias
    src = edge_index[0]
    dst = edge_index[1]
    ones = jnp.ones((src.shape[0],), jnp.float32)
    deg = jax.ops.segment_sum(ones, dst, num_segments=N_TRAIN)
    deg = jnp.maximum(deg, 1.0)[:, None]
    # conv1: src = gene features, dst = train features
    neigh1 = jax.ops.segment_sum(gene_feat[src], dst, num_segments=N_TRAIN) / deg
    h1 = train_feat @ W_self1 + neigh1 @ W_neigh1 + b1
    h1 = jax.nn.relu(h1)
    # conv2: src = gene features (dim == hidden), dst = h1
    neigh2 = jax.ops.segment_sum(gene_feat[src], dst, num_segments=N_TRAIN) / deg
    h2 = h1 @ W_self2 + neigh2 @ W_neigh2 + b2
    h2 = jax.nn.relu(h2)
    # classifier: Linear -> ReLU -> Linear
    out = jax.nn.relu(h2 @ Wc1 + bc1) @ Wc2 + bc2
    return out

if __name__ == "__main__":
    import jax
    _d = setup_inputs()
    print(jax.jit(kernel)(*tuple(_d.values())))

</pallas_src>

<mosaic_0001>
#map = affine_map<(d0, d1) -> (0, 0)>
#map1 = affine_map<(d0, d1) -> (0)>
#map2 = affine_map<(d0, d1) -> (0, 0, 0)>
module attributes {stable_mosaic.version = 14 : i64} {
  func.func @seg_kernel(%arg0: i32, %arg1: i32, %arg2: memref<10000x144xf32, #tpu.memory_space<hbm>>, %arg3: memref<320000xi32, #tpu.memory_space<hbm>>, %arg4: memref<320000xi32, #tpu.memory_space<hbm>>, %arg5: memref<640x144xf32, #tpu.memory_space<hbm>>, %arg6: memref<2x10240x144xf32, #tpu.memory_space<hbm>>, %arg7: memref<128xi32, #tpu.memory_space<vmem>>, %arg8: memref<128xi32, #tpu.memory_space<vmem>>, %arg9: memref<128x144xf32, #tpu.memory_space<vmem>>, %arg10: memref<10240x144xf32, #tpu.memory_space<vmem_shared>>, %arg11: memref<!tpu.dma_semaphore, #tpu.memory_space<semaphore_mem>>) attributes {dimension_semantics = [#tpu.dimension_semantics<core_parallel>, #tpu.dimension_semantics<subcore_parallel>], iteration_bounds = array<i64: 2, 16>, scalar_prefetch = 0 : i64, scratch_operands = 5 : i64, tpu.core_type = #tpu.core_type<sc_vector_subcore>, window_params = [{transform_indices = #map}, {transform_indices = #map1}, {transform_indices = #map1}, {transform_indices = #map}, {transform_indices = #map2}]} {
    %mul3A = arith.constant 2 : i32
    %mul3A_0 = arith.muli %arg1, %mul3A : i32
    %add3A = arith.addi %mul3A_0, %arg0 : i32
    %mul3A_1 = arith.constant 640 : i32
    %mul3A_2 = arith.muli %arg1, %mul3A_1 : i32
    %multiple_of3A = tpu.assume_multiple %mul3A_2, 8 : i32
    "tpu.region"() ({
      %run_scoped3A = tpu.sem_alloc : memref<!tpu.dma_semaphore, #tpu.memory_space<semaphore_mem>>
      %dma_start3A = arith.constant 0 : i32
      %dma_start3A_15 = tpu.memref_slice %arg10[%multiple_of3A, %dma_start3A] : memref<10240x144xf32, #tpu.memory_space<vmem_shared>> -> memref<640x144xf32, #tpu.memory_space<vmem_shared>>
      tpu.enqueue_dma source(%arg5 : memref<640x144xf32, #tpu.memory_space<hbm>>) target(%dma_start3A_15 : memref<640x144xf32, #tpu.memory_space<vmem_shared>>) target_semaphore(%run_scoped3A : memref<!tpu.dma_semaphore, #tpu.memory_space<semaphore_mem>>)
      %dma_wait3A = arith.constant 0 : i32
      %dma_wait3A_16 = tpu.memref_slice %arg10[%multiple_of3A, %dma_wait3A] : memref<10240x144xf32, #tpu.memory_space<vmem_shared>> -> memref<640x144xf32, #tpu.memory_space<vmem_shared>>
      tpu.wait_dma2 semaphore(%run_scoped3A : memref<!tpu.dma_semaphore, #tpu.memory_space<semaphore_mem>>) src(%arg5 : memref<640x144xf32, #tpu.memory_space<hbm>>) dst(%dma_wait3A_16 : memref<640x144xf32, #tpu.memory_space<vmem_shared>>)
      tpu.yield
    }) : () -> ()
    %barrier3A = arith.constant 0 : index
    tpu.barrier barrier_id(%barrier3A)
    %lt3A = arith.constant 4 : i32
    %lt3A_3 = arith.cmpi slt, %add3A, %lt3A : i32
    %jit3A = arith.constant 79 : i32
    %jit3A_4 = arith.constant 78 : i32
    %select_n3A = arith.select %lt3A_3, %jit3A, %jit3A_4 : i32
    %while3A = arith.constant 0 : i32
    %while3A_5 = arith.constant 0 : i32
    %while3A_6 = arith.subi %select_n3A, %while3A_5 : i32
    %while3A_7 = arith.addi %while3A_5, %while3A_6 : i32
    %while3A_8 = arith.constant 1 : i32
    %while3A_9 = arith.divsi %while3A_6, %while3A_8 : i32
    %while3A_10 = arith.muli %while3A_9, %while3A_8 : i32
    %while3A_11 = arith.addi %while3A_5, %while3A_10 : i32
    %while3A_12 = arith.constant 1 : i32
    scf.for %while3A_15 = %while3A_5 to %while3A_11 step %while3A_12  : i32 {
      %mul3A_16 = arith.constant 32 : i32
      %mul3A_17 = arith.muli %while3A_15, %mul3A_16 : i32
      %add3A_18 = arith.addi %add3A, %mul3A_17 : i32
      %mul3A_19 = arith.constant 128 : i32
      %mul3A_20 = arith.muli %add3A_18, %mul3A_19 : i32
      %multiple_of3A_21 = tpu.assume_multiple %mul3A_20, 8 : i32
      "tpu.region"() ({
        %run_scoped3A = tpu.sem_alloc : memref<!tpu.dma_semaphore, #tpu.memory_space<semaphore_mem>>
        %dma_start3A_26 = tpu.memref_slice %arg3[%multiple_of3A_21] : memref<320000xi32, #tpu.memory_space<hbm>> -> memref<128xi32, #tpu.memory_space<hbm>>
        %dma_start3A_27 = tpu.memref_slice %arg3[%multiple_of3A_21] : memref<320000xi32, #tpu.memory_space<hbm>> -> memref<128xi32, #tpu.memory_space<hbm>>
        tpu.enqueue_dma source(%dma_start3A_27 : memref<128xi32, #tpu.memory_space<hbm>>) target(%arg7 : memref<128xi32, #tpu.memory_space<vmem>>) target_semaphore(%run_scoped3A : memref<!tpu.dma_semaphore, #tpu.memory_space<semaphore_mem>>)
        %dma_wait3A_28 = tpu.memref_slice %arg3[%multiple_of3A_21] : memref<320000xi32, #tpu.memory_space<hbm>> -> memref<128xi32, #tpu.memory_space<hbm>>
        %dma_wait3A_29 = tpu.memref_slice %arg3[%multiple_of3A_21] : memref<320000xi32, #tpu.memory_space<hbm>> -> memref<128xi32, #tpu.memory_space<hbm>>
        tpu.wait_dma2 semaphore(%run_scoped3A : memref<!tpu.dma_semaphore, #tpu.memory_space<semaphore_mem>>) src(%dma_wait3A_29 : memref<128xi32, #tpu.memory_space<hbm>>) dst(%arg7 : memref<128xi32, #tpu.memory_space<vmem>>)
        tpu.yield
      }) : () -> ()
      "tpu.region"() ({
        %run_scoped3A = tpu.sem_alloc : memref<!tpu.dma_semaphore, #tpu.memory_space<semaphore_mem>>
        %dma_start3A_26 = tpu.memref_slice %arg4[%multiple_of3A_21] : memref<320000xi32, #tpu.memory_space<hbm>> -> memref<128xi32, #tpu.memory_space<hbm>>
        %dma_start3A_27 = tpu.memref_slice %arg4[%multiple_of3A_21] : memref<320000xi32, #tpu.memory_space<hbm>> -> memref<128xi32, #tpu.memory_space<hbm>>
        tpu.enqueue_dma source(%dma_start3A_27 : memref<128xi32, #tpu.memory_space<hbm>>) target(%arg8 : memref<128xi32, #tpu.memory_space<vmem>>) target_semaphore(%run_scoped3A : memref<!tpu.dma_semaphore, #tpu.memory_space<semaphore_mem>>)
        %dma_wait3A_28 = tpu.memref_slice %arg4[%multiple_of3A_21] : memref<320000xi32, #tpu.memory_space<hbm>> -> memref<128xi32, #tpu.memory_space<hbm>>
        %dma_wait3A_29 = tpu.memref_slice %arg4[%multiple_of3A_21] : memref<320000xi32, #tpu.memory_space<hbm>> -> memref<128xi32, #tpu.memory_space<hbm>>
        tpu.wait_dma2 semaphore(%run_scoped3A : memref<!tpu.dma_semaphore, #tpu.memory_space<semaphore_mem>>) src(%dma_wait3A_29 : memref<128xi32, #tpu.memory_space<hbm>>) dst(%arg8 : memref<128xi32, #tpu.memory_space<vmem>>)
        tpu.yield
      }) : () -> ()
      %dma_start3A = arith.constant 0 : i32
      %dma_start3A_22 = arith.constant 0 : i32
      %dma_start3A_23 = tpu.memref_slice %arg2[%dma_start3A, %dma_start3A_22] : memref<10000x144xf32, #tpu.memory_space<hbm>> -> memref<10000x144xf32, #tpu.memory_space<hbm>>
      tpu.enqueue_indirect_dma source(%dma_start3A_23 : memref<10000x144xf32, #tpu.memory_space<hbm>>) target(%arg9 : memref<128x144xf32, #tpu.memory_space<vmem>>) offsets(%arg7 : memref<128xi32, #tpu.memory_space<vmem>>) semaphore(%arg11 : memref<!tpu.dma_semaphore, #tpu.memory_space<semaphore_mem>>)
      %dma_wait3A = arith.constant 0 : i32
      %dma_wait3A_24 = arith.constant 0 : i32
      %dma_wait3A_25 = tpu.memref_slice %arg2[%dma_wait3A, %dma_wait3A_24] : memref<10000x144xf32, #tpu.memory_space<hbm>> -> memref<10000x144xf32, #tpu.memory_space<hbm>>
      tpu.wait_indirect_dma semaphore(%arg11 : memref<!tpu.dma_semaphore, #tpu.memory_space<semaphore_mem>>) src(%dma_wait3A_25 : memref<10000x144xf32, #tpu.memory_space<hbm>>) dst(%arg9 : memref<128x144xf32, #tpu.memory_space<vmem>>)
      "tpu.region"() ({
        %run_scoped3A = tpu.sem_alloc : memref<!tpu.dma_semaphore, #tpu.memory_space<semaphore_mem>>
        %dma_start3A_26 = arith.constant 0 : i32
        %dma_start3A_27 = arith.constant 0 : i32
        %dma_start3A_28 = tpu.memref_slice %arg10[%dma_start3A_26, %dma_start3A_27] : memref<10240x144xf32, #tpu.memory_space<vmem_shared>> -> memref<10240x144xf32, #tpu.memory_space<vmem_shared>>
        tpu.enqueue_indirect_dma source(%arg9 : memref<128x144xf32, #tpu.memory_space<vmem>>) target(%dma_start3A_28 : memref<10240x144xf32, #tpu.memory_space<vmem_shared>>) offsets(%arg8 : memref<128xi32, #tpu.memory_space<vmem>>) semaphore(%run_scoped3A : memref<!tpu.dma_semaphore, #tpu.memory_space<semaphore_mem>>) {add = true}
        %dma_wait3A_29 = arith.constant 0 : i32
        %dma_wait3A_30 = arith.constant 0 : i32
        %dma_wait3A_31 = tpu.memref_slice %arg10[%dma_wait3A_29, %dma_wait3A_30] : memref<10240x144xf32, #tpu.memory_space<vmem_shared>> -> memref<10240x144xf32, #tpu.memory_space<vmem_shared>>
        tpu.wait_indirect_dma semaphore(%run_scoped3A : memref<!tpu.dma_semaphore, #tpu.memory_space<semaphore_mem>>) src(%arg9 : memref<128x144xf32, #tpu.memory_space<vmem>>) dst(%dma_wait3A_31 : memref<10240x144xf32, #tpu.memory_space<vmem_shared>>)
        tpu.yield
      }) : () -> ()
    }
    %while3A_13 = arith.constant 1 : i32
    scf.for %while3A_15 = %while3A_11 to %while3A_7 step %while3A_13  : i32 {
      %mul3A_16 = arith.constant 32 : i32
      %mul3A_17 = arith.muli %while3A_15, %mul3A_16 : i32
      %add3A_18 = arith.addi %add3A, %mul3A_17 : i32
      %mul3A_19 = arith.constant 128 : i32
      %mul3A_20 = arith.muli %add3A_18, %mul3A_19 : i32
      %multiple_of3A_21 = tpu.assume_multiple %mul3A_20, 8 : i32
      "tpu.region"() ({
        %run_scoped3A = tpu.sem_alloc : memref<!tpu.dma_semaphore, #tpu.memory_space<semaphore_mem>>
        %dma_start3A_26 = tpu.memref_slice %arg3[%multiple_of3A_21] : memref<320000xi32, #tpu.memory_space<hbm>> -> memref<128xi32, #tpu.memory_space<hbm>>
        %dma_start3A_27 = tpu.memref_slice %arg3[%multiple_of3A_21] : memref<320000xi32, #tpu.memory_space<hbm>> -> memref<128xi32, #tpu.memory_space<hbm>>
        tpu.enqueue_dma source(%dma_start3A_27 : memref<128xi32, #tpu.memory_space<hbm>>) target(%arg7 : memref<128xi32, #tpu.memory_space<vmem>>) target_semaphore(%run_scoped3A : memref<!tpu.dma_semaphore, #tpu.memory_space<semaphore_mem>>)
        %dma_wait3A_28 = tpu.memref_slice %arg3[%multiple_of3A_21] : memref<320000xi32, #tpu.memory_space<hbm>> -> memref<128xi32, #tpu.memory_space<hbm>>
        %dma_wait3A_29 = tpu.memref_slice %arg3[%multiple_of3A_21] : memref<320000xi32, #tpu.memory_space<hbm>> -> memref<128xi32, #tpu.memory_space<hbm>>
        tpu.wait_dma2 semaphore(%run_scoped3A : memref<!tpu.dma_semaphore, #tpu.memory_space<semaphore_mem>>) src(%dma_wait3A_29 : memref<128xi32, #tpu.memory_space<hbm>>) dst(%arg7 : memref<128xi32, #tpu.memory_space<vmem>>)
        tpu.yield
      }) : () -> ()
      "tpu.region"() ({
        %run_scoped3A = tpu.sem_alloc : memref<!tpu.dma_semaphore, #tpu.memory_space<semaphore_mem>>
        %dma_start3A_26 = tpu.memref_slice %arg4[%multiple_of3A_21] : memref<320000xi32, #tpu.memory_space<hbm>> -> memref<128xi32, #tpu.memory_space<hbm>>
        %dma_start3A_27 = tpu.memref_slice %arg4[%multiple_of3A_21] : memref<320000xi32, #tpu.memory_space<hbm>> -> memref<128xi32, #tpu.memory_space<hbm>>
        tpu.enqueue_dma source(%dma_start3A_27 : memref<128xi32, #tpu.memory_space<hbm>>) target(%arg8 : memref<128xi32, #tpu.memory_space<vmem>>) target_semaphore(%run_scoped3A : memref<!tpu.dma_semaphore, #tpu.memory_space<semaphore_mem>>)
        %dma_wait3A_28 = tpu.memref_slice %arg4[%multiple_of3A_21] : memref<320000xi32, #tpu.memory_space<hbm>> -> memref<128xi32, #tpu.memory_space<hbm>>
        %dma_wait3A_29 = tpu.memref_slice %arg4[%multiple_of3A_21] : memref<320000xi32, #tpu.memory_space<hbm>> -> memref<128xi32, #tpu.memory_space<hbm>>
        tpu.wait_dma2 semaphore(%run_scoped3A : memref<!tpu.dma_semaphore, #tpu.memory_space<semaphore_mem>>) src(%dma_wait3A_29 : memref<128xi32, #tpu.memory_space<hbm>>) dst(%arg8 : memref<128xi32, #tpu.memory_space<vmem>>)
        tpu.yield
      }) : () -> ()
      %dma_start3A = arith.constant 0 : i32
      %dma_start3A_22 = arith.constant 0 : i32
      %dma_start3A_23 = tpu.memref_slice %arg2[%dma_start3A, %dma_start3A_22] : memref<10000x144xf32, #tpu.memory_space<hbm>> -> memref<10000x144xf32, #tpu.memory_space<hbm>>
      tpu.enqueue_indirect_dma source(%dma_start3A_23 : memref<10000x144xf32, #tpu.memory_space<hbm>>) target(%arg9 : memref<128x144xf32, #tpu.memory_space<vmem>>) offsets(%arg7 : memref<128xi32, #tpu.memory_space<vmem>>) semaphore(%arg11 : memref<!tpu.dma_semaphore, #tpu.memory_space<semaphore_mem>>)
      %dma_wait3A = arith.constant 0 : i32
      %dma_wait3A_24 = arith.constant 0 : i32
      %dma_wait3A_25 = tpu.memref_slice %arg2[%dma_wait3A, %dma_wait3A_24] : memref<10000x144xf32, #tpu.memory_space<hbm>> -> memref<10000x144xf32, #tpu.memory_space<hbm>>
      tpu.wait_indirect_dma semaphore(%arg11 : memref<!tpu.dma_semaphore, #tpu.memory_space<semaphore_mem>>) src(%dma_wait3A_25 : memref<10000x144xf32, #tpu.memory_space<hbm>>) dst(%arg9 : memref<128x144xf32, #tpu.memory_space<vmem>>)
      "tpu.region"() ({
        %run_scoped3A = tpu.sem_alloc : memref<!tpu.dma_semaphore, #tpu.memory_space<semaphore_mem>>
        %dma_start3A_26 = arith.constant 0 : i32
        %dma_start3A_27 = arith.constant 0 : i32
        %dma_start3A_28 = tpu.memref_slice %arg10[%dma_start3A_26, %dma_start3A_27] : memref<10240x144xf32, #tpu.memory_space<vmem_shared>> -> memref<10240x144xf32, #tpu.memory_space<vmem_shared>>
        tpu.enqueue_indirect_dma source(%arg9 : memref<128x144xf32, #tpu.memory_space<vmem>>) target(%dma_start3A_28 : memref<10240x144xf32, #tpu.memory_space<vmem_shared>>) offsets(%arg8 : memref<128xi32, #tpu.memory_space<vmem>>) semaphore(%run_scoped3A : memref<!tpu.dma_semaphore, #tpu.memory_space<semaphore_mem>>) {add = true}
        %dma_wait3A_29 = arith.constant 0 : i32
        %dma_wait3A_30 = arith.constant 0 : i32
        %dma_wait3A_31 = tpu.memref_slice %arg10[%dma_wait3A_29, %dma_wait3A_30] : memref<10240x144xf32, #tpu.memory_space<vmem_shared>> -> memref<10240x144xf32, #tpu.memory_space<vmem_shared>>
        tpu.wait_indirect_dma semaphore(%run_scoped3A : memref<!tpu.dma_semaphore, #tpu.memory_space<semaphore_mem>>) src(%arg9 : memref<128x144xf32, #tpu.memory_space<vmem>>) dst(%dma_wait3A_31 : memref<10240x144xf32, #tpu.memory_space<vmem_shared>>)
        tpu.yield
      }) : () -> ()
    }
    %barrier3A_14 = arith.constant 0 : index
    tpu.barrier barrier_id(%barrier3A_14)
    "tpu.region"() ({
      %run_scoped3A = tpu.sem_alloc : memref<!tpu.dma_semaphore, #tpu.memory_space<semaphore_mem>>
      %dma_start3A = arith.constant 0 : i32
      %dma_start3A_15 = tpu.memref_slice %arg6[%arg0, %multiple_of3A, %dma_start3A] : memref<2x10240x144xf32, #tpu.memory_space<hbm>> -> memref<1x640x144xf32, #tpu.memory_space<hbm>>
      %dma_start3A_16 = tpu.memref_squeeze %dma_start3A_15 : memref<1x640x144xf32, #tpu.memory_space<hbm>> -> memref<640x144xf32, #tpu.memory_space<hbm>>
      %dma_start3A_17 = arith.constant 0 : i32
      %dma_start3A_18 = tpu.memref_slice %arg10[%multiple_of3A, %dma_start3A_17] : memref<10240x144xf32, #tpu.memory_space<vmem_shared>> -> memref<640x144xf32, #tpu.memory_space<vmem_shared>>
      tpu.enqueue_dma source(%dma_start3A_18 : memref<640x144xf32, #tpu.memory_space<vmem_shared>>) target(%dma_start3A_16 : memref<640x144xf32, #tpu.memory_space<hbm>>) target_semaphore(%run_scoped3A : memref<!tpu.dma_semaphore, #tpu.memory_space<semaphore_mem>>)
      %dma_wait3A = arith.constant 0 : i32
      %dma_wait3A_19 = tpu.memref_slice %arg6[%arg0, %multiple_of3A, %dma_wait3A] : memref<2x10240x144xf32, #tpu.memory_space<hbm>> -> memref<1x640x144xf32, #tpu.memory_space<hbm>>
      %dma_wait3A_20 = tpu.memref_squeeze %dma_wait3A_19 : memref<1x640x144xf32, #tpu.memory_space<hbm>> -> memref<640x144xf32, #tpu.memory_space<hbm>>
      %dma_wait3A_21 = arith.constant 0 : i32
      %dma_wait3A_22 = tpu.memref_slice %arg10[%multiple_of3A, %dma_wait3A_21] : memref<10240x144xf32, #tpu.memory_space<vmem_shared>> -> memref<640x144xf32, #tpu.memory_space<vmem_shared>>
      tpu.wait_dma2 semaphore(%run_scoped3A : memref<!tpu.dma_semaphore, #tpu.memory_space<semaphore_mem>>) src(%dma_wait3A_22 : memref<640x144xf32, #tpu.memory_space<vmem_shared>>) dst(%dma_wait3A_20 : memref<640x144xf32, #tpu.memory_space<hbm>>)
      tpu.yield
    }) : () -> ()
    return
  }
}

module attributes {stable_mosaic.version = 14 : i64} {
  func.func @body(%arg0: i32, %arg1: memref<1024x144xf32, #tpu.memory_space<vmem>>, %arg2: memref<1024x144xf32, #tpu.memory_space<vmem>>, %arg3: memref<1024x128xf32, #tpu.memory_space<vmem>>, %arg4: memref<128x128xf32, #tpu.memory_space<vmem>>, %arg5: memref<128x128xf32, #tpu.memory_space<vmem>>, %arg6: memref<1x128xf32, #tpu.memory_space<vmem>>, %arg7: memref<128x128xf32, #tpu.memory_space<vmem>>, %arg8: memref<128x128xf32, #tpu.memory_space<vmem>>, %arg9: memref<1x128xf32, #tpu.memory_space<vmem>>, %arg10: memref<128x128xf32, #tpu.memory_space<vmem>>, %arg11: memref<1x128xf32, #tpu.memory_space<vmem>>, %arg12: memref<128x16xf32, #tpu.memory_space<vmem>>, %arg13: memref<1x16xf32, #tpu.memory_space<vmem>>, %arg14: memref<1024x16xf32, #tpu.memory_space<vmem>>) attributes {dimension_semantics = [#tpu.dimension_semantics<arbitrary>], iteration_bounds = array<i64: 10>, scalar_prefetch = 0 : i64, scratch_operands = 0 : i64, tpu.core_type = #tpu.core_type<tc>, window_params = [{transform_indices = @transform_0, window_bounds = array<i64: 1024, 144>}, {transform_indices = @transform_1, window_bounds = array<i64: 1024, 144>}, {transform_indices = @transform_2, window_bounds = array<i64: 1024, 128>}, {pipeline_mode = #tpu.pipeline_mode<synchronous>, transform_indices = @transform_3, window_bounds = array<i64: 128, 128>}, {pipeline_mode = #tpu.pipeline_mode<synchronous>, transform_indices = @transform_4, window_bounds = array<i64: 128, 128>}, {pipeline_mode = #tpu.pipeline_mode<synchronous>, transform_indices = @transform_5, window_bounds = array<i64: 1, 128>}, {pipeline_mode = #tpu.pipeline_mode<synchronous>, transform_indices = @transform_6, window_bounds = array<i64: 128, 128>}, {pipeline_mode = #tpu.pipeline_mode<synchronous>, transform_indices = @transform_7, window_bounds = array<i64: 128, 128>}, {pipeline_mode = #tpu.pipeline_mode<synchronous>, transform_indices = @transform_8, window_bounds = array<i64: 1, 128>}, {pipeline_mode = #tpu.pipeline_mode<synchronous>, transform_indices = @transform_9, window_bounds = array<i64: 128, 128>}, {pipeline_mode = #tpu.pipeline_mode<synchronous>, transform_indices = @transform_10, window_bounds = array<i64: 1, 128>}, {pipeline_mode = #tpu.pipeline_mode<synchronous>, transform_indices = @transform_11, window_bounds = array<i64: 128, 16>}, {pipeline_mode = #tpu.pipeline_mode<synchronous>, transform_indices = @transform_12, window_bounds = array<i64: 1, 16>}, {transform_indices = @transform_13, window_bounds = array<i64: 1024, 16>}]} {
    %get3A = arith.constant 0 : index
    %get3A_0 = arith.constant 0 : index
    %get3A_1 = vector.load %arg1[%get3A, %get3A_0] : memref<1024x144xf32, #tpu.memory_space<vmem>>, vector<1024x144xf32>
    %get3A_2 = arith.constant 0 : index
    %get3A_3 = arith.constant 0 : index
    %get3A_4 = vector.load %arg2[%get3A_2, %get3A_3] : memref<1024x144xf32, #tpu.memory_space<vmem>>, vector<1024x144xf32>
    %add3A = arith.addf %get3A_1, %get3A_4 : vector<1024x144xf32>
    %slice3A = vector.extract_strided_slice %add3A {offsets = [0, 128], sizes = [1024, 1], strides = [1, 1]} : vector<1024x144xf32> to vector<1024x1xf32>
    %max3A = arith.constant 1.000000e+00 : f32
    %max3A_5 = vector.broadcast %max3A : f32 to vector<1024x1xf32>
    %max3A_6 = arith.maximumf %slice3A, %max3A_5 : vector<1024x1xf32>
    %slice3A_7 = vector.extract_strided_slice %add3A {offsets = [0, 0], sizes = [1024, 128], strides = [1, 1]} : vector<1024x144xf32> to vector<1024x128xf32>
    %div3A = vector.broadcast %max3A_6 : vector<1024x1xf32> to vector<1024x128xf32>
    %div3A_8 = arith.divf %slice3A_7, %div3A : vector<1024x128xf32>
    %get3A_9 = arith.constant 0 : index
    %get3A_10 = arith.constant 0 : index
    %get3A_11 = vector.load %arg3[%get3A_9, %get3A_10] : memref<1024x128xf32, #tpu.memory_space<vmem>>, vector<1024x128xf32>
    %get3A_12 = arith.constant 0 : index
    %get3A_13 = arith.constant 0 : index
    %get3A_14 = vector.load %arg4[%get3A_12, %get3A_13] : memref<128x128xf32, #tpu.memory_space<vmem>>, vector<128x128xf32>
    %dot_general3A = arith.constant dense<0.000000e+00> : vector<1024x128xf32>
    %dot_general3A_15 = tpu.matmul %get3A_11, %get3A_14, %dot_general3A {dimension_numbers = #tpu.dot_dimension_numbers<[1], [0], [0], [1], [0, 0, 1, 1], [], []>, transpose_lhs_hint = false} : vector<1024x128xf32>, vector<128x128xf32>, vector<1024x128xf32> -> vector<1024x128xf32>
    %get3A_16 = arith.constant 0 : index
    %get3A_17 = arith.constant 0 : index
    %get3A_18 = vector.load %arg5[%get3A_16, %get3A_17] : memref<128x128xf32, #tpu.memory_space<vmem>>, vector<128x128xf32>
    %dot_general3A_19 = arith.constant dense<0.000000e+00> : vector<1024x128xf32>
    %dot_general3A_20 = tpu.matmul %div3A_8, %get3A_18, %dot_general3A_19 {dimension_numbers = #tpu.dot_dimension_numbers<[1], [0], [0], [1], [0, 0, 1, 1], [], []>, transpose_lhs_hint = false} : vector<1024x128xf32>, vector<128x128xf32>, vector<1024x128xf32> -> vector<1024x128xf32>
    %add3A_21 = arith.addf %dot_general3A_15, %dot_general3A_20 : vector<1024x128xf32>
    %get3A_22 = arith.constant 0 : index
    %get3A_23 = arith.constant 0 : index
    %get3A_24 = vector.load %arg6[%get3A_22, %get3A_23] : memref<1x128xf32, #tpu.memory_space<vmem>>, vector<1x128xf32>
    %add3A_25 = vector.broadcast %get3A_24 : vector<1x128xf32> to vector<1024x128xf32>
    %add3A_26 = arith.addf %add3A_21, %add3A_25 : vector<1024x128xf32>
    %max3A_27 = arith.constant 0.000000e+00 : f32
    %max3A_28 = vector.broadcast %max3A_27 : f32 to vector<1024x128xf32>
    %max3A_29 = arith.maximumf %add3A_26, %max3A_28 : vector<1024x128xf32>
    %get3A_30 = arith.constant 0 : index
    %get3A_31 = arith.constant 0 : index
    %get3A_32 = vector.load %arg7[%get3A_30, %get3A_31] : memref<128x128xf32, #tpu.memory_space<vmem>>, vector<128x128xf32>
    %dot_general3A_33 = arith.constant dense<0.000000e+00> : vector<1024x128xf32>
    %dot_general3A_34 = tpu.matmul %max3A_29, %get3A_32, %dot_general3A_33 {dimension_numbers = #tpu.dot_dimension_numbers<[1], [0], [0], [1], [0, 0, 1, 1], [], []>, transpose_lhs_hint = false} : vector<1024x128xf32>, vector<128x128xf32>, vector<1024x128xf32> -> vector<1024x128xf32>
    %get3A_35 = arith.constant 0 : index
    %get3A_36 = arith.constant 0 : index
    %get3A_37 = vector.load %arg8[%get3A_35, %get3A_36] : memref<128x128xf32, #tpu.memory_space<vmem>>, vector<128x128xf32>
    %dot_general3A_38 = arith.constant dense<0.000000e+00> : vector<1024x128xf32>
    %dot_general3A_39 = tpu.matmul %div3A_8, %get3A_37, %dot_general3A_38 {dimension_numbers = #tpu.dot_dimension_numbers<[1], [0], [0], [1], [0, 0, 1, 1], [], []>, transpose_lhs_hint = false} : vector<1024x128xf32>, vector<128x128xf32>, vector<1024x128xf32> -> vector<1024x128xf32>
    %add3A_40 = arith.addf %dot_general3A_34, %dot_general3A_39 : vector<1024x128xf32>
    %get3A_41 = arith.constant 0 : index
    %get3A_42 = arith.constant 0 : index
    %get3A_43 = vector.load %arg9[%get3A_41, %get3A_42] : memref<1x128xf32, #tpu.memory_space<vmem>>, vector<1x128xf32>
    %add3A_44 = vector.broadcast %get3A_43 : vector<1x128xf32> to vector<1024x128xf32>
    %add3A_45 = arith.addf %add3A_40, %add3A_44 : vector<1024x128xf32>
    %max3A_46 = arith.constant 0.000000e+00 : f32
    %max3A_47 = vector.broadcast %max3A_46 : f32 to vector<1024x128xf32>
    %max3A_48 = arith.maximumf %add3A_45, %max3A_47 : vector<1024x128xf32>
    %get3A_49 = arith.constant 0 : index
    %get3A_50 = arith.constant 0 : index
    %get3A_51 = vector.load %arg10[%get3A_49, %get3A_50] : memref<128x128xf32, #tpu.memory_space<vmem>>, vector<128x128xf32>
    %dot_general3A_52 = arith.constant dense<0.000000e+00> : vector<1024x128xf32>
    %dot_general3A_53 = tpu.matmul %max3A_48, %get3A_51, %dot_general3A_52 {dimension_numbers = #tpu.dot_dimension_numbers<[1], [0], [0], [1], [0, 0, 1, 1], [], []>, transpose_lhs_hint = false} : vector<1024x128xf32>, vector<128x128xf32>, vector<1024x128xf32> -> vector<1024x128xf32>
    %get3A_54 = arith.constant 0 : index
    %get3A_55 = arith.constant 0 : index
    %get3A_56 = vector.load %arg11[%get3A_54, %get3A_55] : memref<1x128xf32, #tpu.memory_space<vmem>>, vector<1x128xf32>
    %add3A_57 = vector.broadcast %get3A_56 : vector<1x128xf32> to vector<1024x128xf32>
    %add3A_58 = arith.addf %dot_general3A_53, %add3A_57 : vector<1024x128xf32>
    %max3A_59 = arith.constant 0.000000e+00 : f32
    %max3A_60 = vector.broadcast %max3A_59 : f32 to vector<1024x128xf32>
    %max3A_61 = arith.maximumf %add3A_58, %max3A_60 : vector<1024x128xf32>
    %get3A_62 = arith.constant 0 : index
    %get3A_63 = arith.constant 0 : index
    %get3A_64 = vector.load %arg12[%get3A_62, %get3A_63] : memref<128x16xf32, #tpu.memory_space<vmem>>, vector<128x16xf32>
    %dot_general3A_65 = arith.constant dense<0.000000e+00> : vector<1024x16xf32>
    %dot_general3A_66 = tpu.matmul %max3A_61, %get3A_64, %dot_general3A_65 {dimension_numbers = #tpu.dot_dimension_numbers<[1], [0], [0], [1], [0, 0, 1, 1], [], []>, transpose_lhs_hint = false} : vector<1024x128xf32>, vector<128x16xf32>, vector<1024x16xf32> -> vector<1024x16xf32>
    %get3A_67 = arith.constant 0 : index
    %get3A_68 = arith.constant 0 : index
    %get3A_69 = vector.load %arg13[%get3A_67, %get3A_68] : memref<1x16xf32, #tpu.memory_space<vmem>>, vector<1x16xf32>
    %add3A_70 = vector.broadcast %get3A_69 : vector<1x16xf32> to vector<1024x16xf32>
    %add3A_71 = arith.addf %dot_general3A_66, %add3A_70 : vector<1024x16xf32>
    %swap3A = arith.constant 0 : index
    %swap3A_72 = arith.constant 0 : index
    %swap3A_73 = vector.load %arg14[%swap3A, %swap3A_72] : memref<1024x16xf32, #tpu.memory_space<vmem>>, vector<1024x16xf32>
    tpu.vector_store %arg14[%swap3A, %swap3A_72], %add3A_71 {strides = array<i32>} : memref<1024x16xf32, #tpu.memory_space<vmem>>, vector<1024x16xf32>,
    return
  }
  func.func @transform_0(%arg0: i32) -> (i32, i32) {
    %c0_i32 = arith.constant 0 : i32
    %c0_i32_0 = arith.constant 0 : i32
    return %arg0, %c0_i32 : i32, i32
  }
  func.func @transform_1(%arg0: i32) -> (i32, i32) {
    %c0_i32 = arith.constant 0 : i32
    %c0_i32_0 = arith.constant 0 : i32
    return %arg0, %c0_i32 : i32, i32
  }
  func.func @transform_2(%arg0: i32) -> (i32, i32) {
    %c0_i32 = arith.constant 0 : i32
    %c0_i32_0 = arith.constant 0 : i32
    return %arg0, %c0_i32 : i32, i32
  }
  func.func @transform_3(%arg0: i32) -> (i32, i32) {
    %c0_i32 = arith.constant 0 : i32
    %c0_i32_0 = arith.constant 0 : i32
    %c0_i32_1 = arith.constant 0 : i32
    return %c0_i32, %c0_i32_0 : i32, i32
  }
  func.func @transform_4(%arg0: i32) -> (i32, i32) {
    %c0_i32 = arith.constant 0 : i32
    %c0_i32_0 = arith.constant 0 : i32
    %c0_i32_1 = arith.constant 0 : i32
    return %c0_i32, %c0_i32_0 : i32, i32
  }
  func.func @transform_5(%arg0: i32) -> (i32, i32) {
    %c0_i32 = arith.constant 0 : i32
    %c0_i32_0 = arith.constant 0 : i32
    %c0_i32_1 = arith.constant 0 : i32
    return %c0_i32, %c0_i32_0 : i32, i32
  }
  func.func @transform_6(%arg0: i32) -> (i32, i32) {
    %c0_i32 = arith.constant 0 : i32
    %c0_i32_0 = arith.constant 0 : i32
    %c0_i32_1 = arith.constant 0 : i32
    return %c0_i32, %c0_i32_0 : i32, i32
  }
  func.func @transform_7(%arg0: i32) -> (i32, i32) {
    %c0_i32 = arith.constant 0 : i32
    %c0_i32_0 = arith.constant 0 : i32
    %c0_i32_1 = arith.constant 0 : i32
    return %c0_i32, %c0_i32_0 : i32, i32
  }
  func.func @transform_8(%arg0: i32) -> (i32, i32) {
    %c0_i32 = arith.constant 0 : i32
    %c0_i32_0 = arith.constant 0 : i32
    %c0_i32_1 = arith.constant 0 : i32
    return %c0_i32, %c0_i32_0 : i32, i32
  }
  func.func @transform_9(%arg0: i32) -> (i32, i32) {
    %c0_i32 = arith.constant 0 : i32
    %c0_i32_0 = arith.constant 0 : i32
    %c0_i32_1 = arith.constant 0 : i32
    return %c0_i32, %c0_i32_0 : i32, i32
  }
  func.func @transform_10(%arg0: i32) -> (i32, i32) {
    %c0_i32 = arith.constant 0 : i32
    %c0_i32_0 = arith.constant 0 : i32
    %c0_i32_1 = arith.constant 0 : i32
    return %c0_i32, %c0_i32_0 : i32, i32
  }
  func.func @transform_11(%arg0: i32) -> (i32, i32) {
    %c0_i32 = arith.constant 0 : i32
    %c0_i32_0 = arith.constant 0 : i32
    %c0_i32_1 = arith.constant 0 : i32
    return %c0_i32, %c0_i32_0 : i32, i32
  }
  func.func @transform_12(%arg0: i32) -> (i32, i32) {
    %c0_i32 = arith.constant 0 : i32
    %c0_i32_0 = arith.constant 0 : i32
    %c0_i32_1 = arith.constant 0 : i32
    return %c0_i32, %c0_i32_0 : i32, i32
  }
  func.func @transform_13(%arg0: i32) -> (i32, i32) {
    %c0_i32 = arith.constant 0 : i32
    %c0_i32_0 = arith.constant 0 : i32
    return %arg0, %c0_i32 : i32, i32
  }
}

</mosaic_0001>

<sc_bundles>
// kernel: kernel.4.cloned.1.call-start
scs
__scs_entry_jumppad:
0x0: {  	(pc) =	sbr.rel $0x88, $3  }
0x1: {  	(tag) =	ssettag $0x0;
	lr =	simm.s32 $0x1  }
0x2: {  	[smem:$0x3F94] =	sst lr;
	_ =	strace $0xD0000000  }
0x3: {  	_ = 	snop  }
0x4: {  	_ = 	snop  }
0x5: {  	_ = 	snop  }
0x6: {  	_ = 	snop  }
0x7: {  	_ = 	snop  }
__scs_overlays_trampoline_lowered:
0x8: {  	[smem:$0x3FA3] =	sst s0  }
0x9: {  	[smem:$0x3FA4] =	sst s1  }
0xa: {  	[smem:$0x3FA5] =	sst s2  }
0xb: {  	[smem:$0x3FA6] =	sst s3  }
0xc: {  	[smem:$0x3FA7] =	sst s4  }
0xd: {  	[smem:$0x3FA8] =	sst s5  }
0xe: {  	[smem:$0x3FA9] =	sst s6  }
0xf: {  	[smem:$0x3FAA] =	sst s7  }
0x10: {  	[smem:$0x3FAB] =	sst s8  }
0x11: {  	[smem:$0x3FAC] =	sst s9;
	s0 =	simm.s32 @!p0 $0x0  }
0x12: {  	s1 =	sld [smem:$0x3F92];
	s0 =	simm.s32 @p0 $0x1  }
0x13: {  	[smem:$0x3FAD] =	sst s0;
	s0 =	simm.s32 @!p1 $0x0  }
0x14: {  	s2 =	sld [smem:$0x3F91];
	s0 =	simm.s32 @p1 $0x1  }
0x15: {  	[smem:$0x3FAE] =	sst s0;
	s0 =	simm.s32 @!p2 $0x0  }
0x16: {  	s3 =	sld [smem:$0x3FDB];
	s0 =	simm.s32 @p2 $0x1  }
0x17: {  	s4 =	simm.s32 $0x1BF5;
	[smem:$0x3FB0] =	sst s0  }
0x18: {  	s0 =	sld [smem:$0x3F93];
	_ =	swait.ge [sflag:s4], $0x0  }
0x19: {  	s7 =	sld [smem:$0x3F94]  }
0x1a: {  	s8 =	sadd.s32 $0xFFFFE003, lr  }
0x1b: {  	s9 =	sadd.s32 $0xFFFFFEF7, lr;
	s5 =	simm.s32 $0xFFFFFFFF;
	p2 =	slt.u32 s8, $0xFFFFF086  }
0x1c: {  	p1 =	slt.u32 s9, $0xF7A;
	s5 =	simm.s32 @!p2 $0x0  }
0x1d: {  	s5 =	simm.s32 @p1 $0x1;
	p0 =	seq.s32 s7, s2  }
0x1e: {  	s7 =	smul.u32 @!p0 $0xF7A, s2;
	p2 =	seq.s32 @!p0 s5, $0x0  }
0x1f: {  	s9 =	smul.u32 $0xF7A, s1;
	s8 =	simm.s32 @!p0 $0x1BF5;
	p2 =	por !p2, p0  }
0x20: {  	[sflag:s8] =	ssyncset.s32 @!p0 $0xFFFFF086;
	s6 =	sadd.s32 @!p0 s3, s7;
	s7 =	simm.s32 @!p0 $0x108  }
0x21: {  	s3 =	sadd.s32 s3, s9;
	s6 =	sadd.s32 @!p0 $0x88, s6;
	s7 =	simm.s32 @p2 $0x1082  }
0x22: {  	[simem:s7], [sflag:s8] =	dma.local @!p0 [hbm:s6], $0xF7A  }
0x23: {  	s9 =	sor.u32 $0xD0000000, s2;
	s6 =	simm.s32 $0x108;
	_ =	swait.ge @!p0 [sflag:s8], $0x0  }
0x24: {  	s3 =	sadd.s32 $0x88, s3;
	s6 =	simm.s32 @!p1 $0x1082;
	[sflag:s4] =	ssyncset.s32 $0xFFFFF086  }
0x25: {  	[simem:s6], [sflag:s4] =	dma.local [hbm:s3], $0xF7A  }
0x26: {  	[smem:$0x3F94] =	sst s1;
	(tag) =	ssettag s2;
	_ =	strace s9  }
0x27: {  	s1 =	sld [smem:$0x3FA4]  }
0x28: {  	s2 =	sld [smem:$0x3FA5]  }
0x29: {  	s4 =	sld [smem:$0x3FA7]  }
0x2a: {  	p0 =	seq.s32 s5, $0x0;
	s5 =	sld [smem:$0x3FA8]  }
0x2b: {  	s6 =	sld [smem:$0x3FA9]  }
0x2c: {  	s7 =	sld [smem:$0x3FAA]  }
0x2d: {  	s3 =	simm.s32 $0x108;
	s8 =	sld [smem:$0x3FAB]  }
0x2e: {  	s3 =	simm.s32 @!p0 $0x1082;
	s9 =	sld [smem:$0x3FAC]  }
0x2f: {  	lr =	sadd.s32 s0, s3;
	s0 =	sld [smem:$0x3FA3]  }
0x30: {  	s3 =	sld [smem:$0x3FA6]  }
0x31: {  	[smem:$0x3FAF] =	sst s10  }
0x32: {  	s10 =	sld [smem:$0x3FAD];
	_ =	sdelay $0x3  }
0x33: {  	p0 =	seq.s32 s10, $0x1;
	s10 =	sld [smem:$0x3FAF];
	_ =	sdelay $0x3  }
0x34: {  	[smem:$0x3FAF] =	sst s10  }
0x35: {  	s10 =	sld [smem:$0x3FAE];
	_ =	sdelay $0x3  }
0x36: {  	p1 =	seq.s32 s10, $0x1;
	s10 =	sld [smem:$0x3FAF];
	_ =	sdelay $0x3  }
0x37: {  	[smem:$0x3FAF] =	sst s10  }
0x38: {  	s10 =	sld [smem:$0x3FB0]  }
0x39: {  	_ = 	snop;
	(pc) =	sbr.ind lr, $3  }
0x3a: {  	_ = 	snop  }
0x3b: {  	_ = 	snop  }
0x3c: {  	p2 =	seq.s32 s10, $0x1;
	s10 =	sld [smem:$0x3FAF]  }
0x3d: {  	_ =	shalt  }
0x3e: {  	_ =	shalt  }
0x3f: {  	_ =	shalt  }
0x40: {  	_ =	shalt  }
0x41: {  	_ =	shalt  }
0x42: {  	_ =	shalt  }
0x43: {  	_ =	shalt  }
0x44: {  	_ =	shalt  }
0x45: {  	_ =	shalt  }
0x46: {  	_ =	shalt  }
0x47: {  	_ =	shalt  }
0x48: {  	_ =	shalt  }
0x49: {  	_ =	shalt  }
0x4a: {  	_ =	shalt  }
0x4b: {  	_ =	shalt  }
0x4c: {  	_ =	shalt  }
0x4d: {  	_ =	shalt  }
0x4e: {  	_ =	shalt  }
0x4f: {  	_ =	shalt  }
0x50: {  	_ =	shalt  }
0x51: {  	_ =	shalt  }
0x52: {  	_ =	shalt  }
0x53: {  	_ =	shalt  }
0x54: {  	_ =	shalt  }
0x55: {  	_ =	shalt  }
0x56: {  	_ =	shalt  }
0x57: {  	_ =	shalt  }
0x58: {  	_ =	shalt  }
0x59: {  	_ =	shalt  }
0x5a: {  	_ =	shalt  }
0x5b: {  	_ =	shalt  }
0x5c: {  	_ =	shalt  }
0x5d: {  	_ =	shalt  }
0x5e: {  	_ =	shalt  }
0x5f: {  	_ =	shalt  }
0x60: {  	_ =	shalt  }
0x61: {  	_ =	shalt  }
0x62: {  	_ =	shalt  }
0x63: {  	_ =	shalt  }
0x64: {  	_ =	shalt  }
0x65: {  	_ =	shalt  }
0x66: {  	_ =	shalt  }
0x67: {  	_ =	shalt  }
0x68: {  	_ =	shalt  }
0x69: {  	_ =	shalt  }
0x6a: {  	_ =	shalt  }
0x6b: {  	_ =	shalt  }
0x6c: {  	_ =	shalt  }
0x6d: {  	_ =	shalt  }
0x6e: {  	_ =	shalt  }
0x6f: {  	_ =	shalt  }
0x70: {  	_ =	shalt  }
0x71: {  	_ =	shalt  }
0x72: {  	_ =	shalt  }
0x73: {  	_ =	shalt  }
0x74: {  	_ =	shalt  }
0x75: {  	_ =	shalt  }
0x76: {  	_ =	shalt  }
0x77: {  	_ =	shalt  }
0x78: {  	_ =	shalt  }
0x79: {  	_ =	shalt  }
0x7a: {  	_ =	shalt  }
0x7b: {  	_ =	shalt  }
0x7c: {  	_ =	shalt  }
0x7d: {  	_ =	shalt  }
0x7e: {  	_ =	shalt  }
0x7f: {  	_ =	shalt  }
0x80: {  	_ =	shalt  }
0x81: {  	_ =	shalt  }
0x82: {  	_ =	shalt  }
0x83: {  	_ =	shalt  }
0x84: {  	_ =	shalt  }
0x85: {  	_ =	shalt  }
0x86: {  	_ =	shalt  }
0x87: {  	_ =	shalt  }
.Lfunc_end0:
.L_simem_size_0:
called_computation_lowered:
.L_overlay_start_0:
0x88: {  	s2 =	sld [smem:$0x3FD9]  }
0x89: {  	s3 =	sld [smem:$0x3FFE];
	_ =	sdelay $0x1  }
0x8a: {  	s1 =	srdreg.scid  }
0x8b: {  	s0 =	sand.u32 $0x1, s1  }
0x8c: {  	s17 =	sshll.u32 s0, $0xA;
	s2 =	sadd.s32 s3, s2  }
0x8d: {  	s2 =	sadd.s32 s2, s17  }
0x8e: {  	[smem:$0x3FBB] =	sst s2  }
0x8f: {  	_ = 	snop  }
0x90: {  	s2 =	sld [smem:$0x3FD0];
	(tm) =	ssettm $0x1  }
0x91: {  	s18 =	sld [smem:$0x3FFB];
	_ =	sdelay $0x3  }
0x92: {  	_ =	strace s18  }
0x93: {  	s3 =	sld [smem:$0x3FFC];
	_ =	sdelay $0x3  }
0x94: {  	_ =	strace s3  }
0x95: {  	s3 =	sld [smem:$0x3FFD];
	_ =	sdelay $0x3  }
0x96: {  	_ =	strace s3  }
0x97: {  	_ =	strace $0x8FFFFFFF  }
0x98: {  	s19 =	sld [smem:$0x3FDB];
	_ =	sdelay $0x1  }
0x99: {  	s4 =	simm.s32 $_scs_section_size  }
0x9a: {  	s5 =	simm.s32 $_size__tile_overlayer_lowered;
	s6 =	simm.s32 $_tile_overlayer_lowered  }
0x9b: {  	s22 =	simm.s32 $0x1BFF;
	s21 =	sshll.u32 s6, $0x1;
	s3 =	sadd.s32 s4, s19  }
0x9c: {  	s7 =	simm.s32 $0x0;
	s20 =	sshll.u32 s5, $0x1;
	s5 =	sadd.s32 s21, s3  }
0x9d: {  	[timem:s7], [sflag:s22] =	dma.local [hbm:s5], s20  }
0x9e: {  	_ =	swait.ge [sflag:s22], s20  }
0x9f: {  	s4 =	ssub.s32 $0x0, s20;
	[sflag:s22] =	ssyncset.done $0x0  }
0xa0: {  	[sflag:s22] =	ssyncadd.s32 s4;
	_ =	sdelay $0x1  }
0xa1: {  	s23 =	simm.s32 $0x1B8B  }
0xa2: {  	_ =	swait.ge [sflag:s23], $0x1  }
0xa3: {  	[sflag:s23] =	ssyncset.done $0x0  }
0xa4: {  	s25 =	simm.s32 $0x1B8E;
	s24 =	sld [smem:$0x3FFE];
	[sflag:s23] =	ssyncadd.s32 $0xFFFFFFFF  }
0xa5: {  	s26 =	simm.s32 $execute0_lowered;
	[smem:$0x3FD2] =	sst s25  }
0xa6: {  	s5 =	sshll.u32 s26, $0x1;
	_ =	strace $0x80000046;
	[dreg:$0x1] =	wrdreg $0xFFFFFFFF  }
0xa7: {  	s28 =	simm.s32 $_size_execute0_lowered;
	s3 =	sadd.s32 s3, s5;
	[dreg:$0x0] =	wrdreg $0x0  }
0xa8: {  	s5 =	sshll.u32 s28, $0x1;
	[dreg:$0x2] =	wrdreg s3  }
0xa9: {  	[dreg:$0x3] =	wrdreg s5  }
0xaa: {  	[dreg:$0x4] =	wrdreg $0xC0  }
0xab: {  	_ =	task [dreg:s7], $0x5FFFF  }
0xac: {  	[dreg:$0x1] =	wrdreg $0xFFFFFFFF  }
0xad: {  	[dreg:$0x0] =	wrdreg $0x60  }
0xae: {  	[dreg:$0x2] =	wrdreg s24  }
0xaf: {  	[dreg:$0x3] =	wrdreg s2  }
0xb0: {  	[dreg:$0x4] =	wrdreg $0x49000  }
0xb1: {  	[dreg:$0x5] =	wrdreg $0x9  }
0xb2: {  	_ =	task.clear_ibuf [dreg:s7], $0x6FFFF;
	_ =	strace $0x90000046  }
0xb3: {  	s29 =	simm.s32 $0x9;
	_ =	strace $0x80000048  }
0xb4: {  	_ =	swait.ge [sflag:s29], $0x1  }
0xb5: {  	[sflag:s29] =	ssyncadd.s32 $0xFFFFFFFF  }
0xb6: {  	_ =	strace $0x90000048  }
0xb7: {  	_ =	sfence  }
0xb8: {  	s30 =	sld [smem:$0x0];
	_ =	sdelay $0x2  }
0xb9: {  	s31 =	sshll.u32 s1, $0xD;
	s1 =	sshrl.u32 s1, $0x2  }
0xba: {  	s3 =	sand.u32 $0x4000, s31;
	s1 =	sadd.s32 s1, s30  }
0xbb: {  	s0 =	sor.u32 s3, s0;
	s1 =	sshll.u32 s1, $0x11  }
0xbc: {  	s0 =	sor.u32 s1, s0  }
0xbd: {  	s0 =	sadd.s32 $0x8F2B, s0  }
0xbe: {  	[sflag:s0] =	ssyncadd.remote.s32 $0x1  }
0xbf: {  	_ =	sfence.sel $0xFFFF  }
0xc0: {  	[dreg:$0x0] =	wrdreg $0xFFFFFFFF;
	(pc) =	sbr.abs _section_cstart, $3  }
0xc1: {  	[dreg:$0x1] =	wrdreg $0xFFFFFFFF  }
0xc2: {  	_ =	task.clear_ibuf [dreg:s7], $0x2FFFF;
	_ =	strace $0x9FFFFFFF  }
0xc3: {  	(tm) =	ssettm $0x7FFFFFFF  }
tec
execute0_lowered:
.L_overlay_start_1:
0x0: {  	(tag) =	ssettag $0x1  }
0x1: {  	s6 =	rddreg [dreg:$0x0]  }
0x2: {  	s1 =	rddreg [dreg:$0x1]  }
0x3: {  	s3 =	rddreg [dreg:$0x2]  }
0x4: {  	s0 =	rddreg [dreg:$0x3]  }
0x5: {  	s4 =	simm.s32 $0x0;
	s5 =	srdreg.scid;
	s2 =	stileid.u32  }
0x6: {  	s13 =	simm.s32 $0x2;
	s14 =	simm.s32 $0x80;
	s15 =	simm.s32 $0x100  }
0x7: {  	s16 =	simm.s32 $0x1;
	s17 =	simm.s32 $0x0;
	[smem:$0x7FF] =	sst s4  }
0x8: {  	s7 =	sand.u32 $0x1, s5;
	s8 =	smul.u32 $0x16800, s2;
	s9 =	sshll.u32 s2, $0x8  }
0x9: {  	s5 =	sadd.s32 $0x15800, s6;
	s31 =	sshll.u32 s2, $0x6;
	p0 =	slt.u32 s2, $0x2  }
0xa: {  	s10 =	sshll.u32 s7, $0x7;
	s11 =	smul.u32 $0x168000, s7;
	s7 =	ssub.s32 $0x2, s7  }
0xb: {  	_ =	strace $0x80000047;
	s9 =	sor.u32 s10, s9;
	s30 =	sshrl.u32 s7, $0x1  }
0xc: {  	s12 =	sadd.s32 s8, s3;
	s9 =	sshrl.u32 s9, $0x3;
	s26 =	sadd.s32 s8, s11  }
0xd: {  	s10 =	ssub.s32 s7, s30;
	s7 =	sor.u32 $0x1C02, s31;
	s29 =	sshrl.u32 s26, $0x3  }
0xe: {  	s28 =	sadd.s32 s9, s6;
	s9 =	sadd.s32 s29, s6;
	s6 =	simm.s32 $0x4F  }
0xf: {  	s12 =	sshrl.u32 s12, $0x3;
	s11 =	sadd.s32 $0xBA00, s28;
	s6 =	simm.s32 @!p0 $0x4E  }
0x10: {  	s8 =	sadd.s32 $0x41800, s9;
	s9 =	smax.u32 s10, $0x1;
	s10 =	sadd.s32 $0x1C00, s28  }
.LBB2_1:
0x11: {  	[spmem:s12], [sflag:s7] =	dma.local [hbm:s1], $0x2D00  }
0x12: {  	_ =	swait.ge [sflag:s13], $0x2D00  }
0x13: {  	[sflag:s13] =	ssyncset.done $0x0  }
0x14: {  	[sflag:s13] =	ssyncadd.s32 $0xFFFFD300  }
0x15: {  	[bflag:$0x0] =	sbarrier.arrive $0xFFFF  }
0x16: {  	[tilespmem:s4], [sflag:$0x2] =	stream.linear.gather [hbm4b:s11+s4], $0x80, $0x38;
	[tilespmem:$0x1B100] =	vst v63  }
0x17: {  	_ =	swait.ge [sflag:s13], $0x80  }
0x18: {  	[sflag:s13] =	ssyncset.done $0x0  }
0x19: {  	[sflag:s13] =	ssyncadd.s32 $0xFFFFFF80  }
0x1a: {  	[tilespmem:s14], [sflag:$0x2] =	stream.linear.gather [hbm4b:s10+s4], $0x80, $0x38;
	[tilespmem:$0x1B100] =	vst v63  }
0x1b: {  	_ =	swait.ge [sflag:s13], $0x80  }
0x1c: {  	[sflag:s13] =	ssyncset.done $0x0  }
0x1d: {  	[sflag:s13] =	ssyncadd.s32 $0xFFFFFF80  }
0x1e: {  	[tilespmem:s15], [sflag:$0x1] =	stream.indirect.gather [hbm4b:s5+s14], $0x90, s4, s14, $0xb8;
	[tilespmem:$0x1B100] =	vst v63  }
0x1f: {  	p0 =	sne.s32 s6, $0x1;
	_ =	swait.ge [sflag:s16], $0x4800  }
.Ltmp0:
0x20: {  	[sflag:s16] =	ssyncset.done $0x0;
	(pc) =	sbr.rel @!p0 .LBB2_3-.Ltmp0, $4  }
0x21: {  	[sflag:s16] =	ssyncadd.s32 $0xFFFFB800  }
0x22: {  	[spmem:s3] =	stream.indirect.scatter.add.f32 [tilespmem:s15], [sflag:$0x2], $0x90, s14, s14, $0xb8;
	[tilespmem:$0x1B100] =	vst v63  }
0x23: {  	s18 =	sadd.s32 $0xFFFFFFFF, s6;
	_ =	swait.ge [sflag:s13], $0x4800  }
0x24: {  	s19 =	smov.u32 s10;
	s20 =	smov.u32 s11;
	[sflag:s13] =	ssyncset.done $0x0  }
.LBB2_2:
0x25: {  	[sflag:s13] =	ssyncadd.s32 $0xFFFFB800;
	s19 =	sadd.s32 $0x200, s19;
	s20 =	sadd.s32 $0x200, s20  }
0x26: {  	[tilespmem:s4], [sflag:$0x2] =	stream.linear.gather [hbm4b:s20+s4], $0x80, $0x38;
	[tilespmem:$0x1B100] =	vst v63  }
0x27: {  	p0 =	sne.s32 s18, $0x1;
	s18 =	sadd.s32 $0xFFFFFFFF, s18;
	_ =	swait.ge [sflag:s13], $0x80  }
0x28: {  	[sflag:s13] =	ssyncset.done $0x0  }
0x29: {  	[sflag:s13] =	ssyncadd.s32 $0xFFFFFF80  }
0x2a: {  	[tilespmem:s14], [sflag:$0x2] =	stream.linear.gather [hbm4b:s19+s4], $0x80, $0x38;
	[tilespmem:$0x1B100] =	vst v63  }
0x2b: {  	_ =	swait.ge [sflag:s13], $0x80  }
0x2c: {  	[sflag:s13] =	ssyncset.done $0x0  }
0x2d: {  	[sflag:s13] =	ssyncadd.s32 $0xFFFFFF80  }
0x2e: {  	[tilespmem:s15], [sflag:$0x1] =	stream.indirect.gather [hbm4b:s5+s14], $0x90, s4, s14, $0xb8;
	[tilespmem:$0x1B100] =	vst v63  }
0x2f: {  	_ =	swait.ge [sflag:s16], $0x4800  }
.Ltmp1:
0x30: {  	[sflag:s16] =	ssyncset.done $0x0;
	(pc) =	sbr.rel @p0 .LBB2_2-.Ltmp1, $4  }
0x31: {  	[sflag:s16] =	ssyncadd.s32 $0xFFFFB800  }
0x32: {  	[spmem:s3] =	stream.indirect.scatter.add.f32 [tilespmem:s15], [sflag:$0x2], $0x90, s14, s14, $0xb8;
	[tilespmem:$0x1B100] =	vst v63  }
0x33: {  	_ =	swait.ge [sflag:s13], $0x4800  }
0x34: {  	[sflag:s13] =	ssyncset.done $0x0  }
.LBB2_3:
0x35: {  	s17 =	sadd.s32 $0x1, s17  }
0x36: {  	[sflag:s13] =	ssyncadd.s32 $0xFFFFB800;
	p0 =	sne.s32 s17, s9  }
.Ltmp2:
0x37: {  	[bflag:$0x0] =	sbarrier.arrive $0xFFFF;
	(pc) =	sbr.rel @p0 .LBB2_1-.Ltmp2, $4  }
0x38: {  	[hbm:s8], [sflag:s7] =	dma.local [spmem:s12], $0x2D00  }
0x39: {  	_ =	swait.ge [sflag:s13], $0x2D00  }
0x3a: {  	[sflag:s13] =	ssyncset.done $0x0  }
0x3b: {  	[sflag:s13] =	ssyncadd.s32 $0xFFFFD300  }
0x3c: {  	_ =	sfence.sel $0x180000  }
0x3d: {  	[bflag:$0x0] =	sbarrier.arrive $0xFFFF  }
0x3e: {  	p0 =	sne.s32 s2, $0x0;
	_ =	strace $0x90000047  }
0x3f: {  	s0 =	sadd.s32 @!p0 $0x100000, s0;
	[bflag:$0x2] =	sbarrier.arrive $0xFFFF  }
0x40: {  	[sflag:s0] =	ssyncadd.tile.s32 @!p0 $0x1;
	_ =	shalt  }
.Lfunc_end2:
_tile_overlayer_lowered:
.L_overlay_start_2:
0x41: {  	(tag) =	ssettag $0x2  }
0x42: {  	s0 =	rddreg [dreg:$0x0];
	s2 =	stileid.u32  }
0x43: {  	s1 =	rddreg [dreg:$0x1];
	p0 =	sne.s32 s2, $0x0  }
0x44: {  	s3 =	rddreg [dreg:$0x2];
	[bflag:$0x3] =	sbarrier.arrive $0xFFFF;
	s2 =	simm.s32 @!p0 $0x1C02  }
0x45: {  	[timem:s3], [sflag:s2] =	dma.local @!p0 [hbm:s0], s1  }
0x46: {  	s0 =	simm.s32 @!p0 $0x2  }
0x47: {  	_ =	swait.ge @!p0 [sflag:s0], s1  }
0x48: {  	s1 =	ssub.s32 @!p0 $0x0, s1;
	[sflag:s0] =	ssyncset.done @!p0 $0x0  }
0x49: {  	[sflag:s0] =	ssyncadd.s32 @!p0 s1  }
0x4a: {  	[bflag:$0x3] =	sbarrier.arrive $0xFFFF  }
0x4b: {  	_ =	shalt  }

</sc_bundles>
